<compile_context>
chip_gen: v7x
topology: tpu7x:2x2x1
jax: 0.10.2.dev20260603
libtpu: 0.0.44.dev20260713+nightly
codegen_flags: <defaults>
</compile_context>

<pallas_src>
import functools

import jax
import jax.numpy as jnp
from jax.experimental import pallas as pl
from jax.experimental.pallas import tpu as pltpu
from jax.experimental.pallas import tpu_sc as plsc

_Q = 1024
_D = 16
_BK = 5000
_NKEYS = 100000


def _reduce_body(nsteps, y_ref, xt2_ref, m_ref, i_ref, m_scr, i_scr, xsq_scr):
    step = pl.program_id(0)

    @pl.when(step == 0)
    def _():
        xt2 = xt2_ref[...]
        xsq_scr[0, :] = jnp.sum(xt2 * xt2, axis=0) * 0.25

    y = y_ref[...]
    y_sq = jnp.sum(y * y, axis=1, keepdims=True)
    prod = jnp.dot(y, xt2_ref[...],
                   preferred_element_type=jnp.float32)
    d2 = (y_sq + xsq_scr[0, :][None, :]) + prod
    bm = jnp.min(d2, axis=0)
    ba = jnp.argmin(d2, axis=0).astype(jnp.int32)
    base = step * _BK

    @pl.when(step == 0)
    def _():
        m_scr[0, :] = bm
        i_scr[0, :] = ba

    @pl.when(step > 0)
    def _():
        cur_m = m_scr[0, :]
        better = bm < cur_m
        m_scr[0, :] = jnp.where(better, bm, cur_m)
        i_scr[0, :] = jnp.where(better, ba + base, i_scr[0, :])

    @pl.when(step == nsteps - 1)
    def _():
        m_ref[0, :] = m_scr[0, :]
        i_ref[0, :] = i_scr[0, :]


def _knn_reduce(y, xt2, *, interpret=False):
    nkeys = y.shape[0]
    nsteps = nkeys // _BK
    return pl.pallas_call(
        functools.partial(_reduce_body, nsteps),
        grid=(nsteps,),
        in_specs=[
            pl.BlockSpec((_BK, _D), lambda i: (i, 0)),
            pl.BlockSpec((_D, _Q), lambda i: (0, 0)),
        ],
        out_specs=[
            pl.BlockSpec((1, _Q), lambda i: (0, 0)),
            pl.BlockSpec((1, _Q), lambda i: (0, 0)),
        ],
        out_shape=[
            jax.ShapeDtypeStruct((1, _Q), jnp.float32),
            jax.ShapeDtypeStruct((1, _Q), jnp.int32),
        ],
        scratch_shapes=[
            pltpu.VMEM((1, _Q), jnp.float32),
            pltpu.VMEM((1, _Q), jnp.int32),
            pltpu.VMEM((1, _Q), jnp.float32),
        ],
        compiler_params=pltpu.CompilerParams(
            dimension_semantics=("arbitrary",),
        ),
        interpret=interpret,
    )(y, xt2)


def _sc_scatter_update(min_dists, nn_indices, upd_d, upd_i, start):
    start_arr = jnp.asarray(start, jnp.int32).reshape(1)
    mesh = plsc.ScalarSubcoreMesh(axis_name="core", num_cores=2)
    nrows, qrows = _NKEYS // 8, _Q // 8

    @functools.partial(
        pl.kernel,
        out_type=(
            jax.ShapeDtypeStruct((nrows, 8), jnp.float32),
            jax.ShapeDtypeStruct((nrows, 8), jnp.int32),
        ),
        mesh=mesh,
        scratch_types=[pltpu.SMEM((1,), jnp.int32),
                       pltpu.SemaphoreType.DMA],
    )
    def sc_scatter(md, ni, ud, ui, st, md_out, ni_out, st_smem, sem):
        core = jax.lax.axis_index("core")
        pltpu.async_copy(st, st_smem, sem).wait()
        srow = pl.multiple_of(st_smem[0] // 8, 8)

        @pl.when(core == 0)
        def _():
            pltpu.async_copy(md, md_out, sem).wait()
            pltpu.async_copy(ud, md_out.at[pl.ds(srow, qrows)], sem).wait()

        @pl.when(core == 1)
        def _():
            pltpu.async_copy(ni, ni_out, sem).wait()
            pltpu.async_copy(ui, ni_out.at[pl.ds(srow, qrows)], sem).wait()

    md_new, ni_new = sc_scatter(min_dists.reshape(nrows, 8),
                                nn_indices.reshape(nrows, 8),
                                upd_d.reshape(qrows, 8),
                                upd_i.reshape(qrows, 8), start_arr)
    return md_new.reshape(_NKEYS), ni_new.reshape(_NKEYS)


def kernel(x, x_idx_start, y, y_idx_start, min_dists, nn_indices):
    xt2 = (-2.0 * x.reshape(_Q, _D)).T
    m, i = _knn_reduce(y, xt2)
    old = jax.lax.dynamic_slice(min_dists, (x_idx_start,), (_Q,))
    new_d = jnp.sqrt(jnp.maximum(m.reshape(_Q), 0.0))
    upd_d = jnp.minimum(new_d, old)
    upd_i = (i.reshape(_Q) + y_idx_start).astype(nn_indices.dtype)
    return _sc_scatter_update(min_dists, nn_indices, upd_d, upd_i,
                              x_idx_start)

# --- scband reference (transcript-rebuilt; emitter-appended) ---
"""Pipeline reference for scband-knncomputer-no-check-40604620817222 (READ-ONLY COPY).

The authoritative reference and input builder live on the scoring server;
editing this copy changes nothing except your own understanding.
"""

import jax, jax.numpy as jnp
import numpy as np


def setup_inputs(seed: int = 0) -> dict:
    key = jax.random.key(seed)
    k1, k2 = jax.random.split(key)
    x = jax.random.normal(k1, (1024, 16), dtype=jnp.float32)
    y = jax.random.normal(k2, (100000, 16), dtype=jnp.float32)
    # registered buffers of the module (K == 1 branch)
    min_dists = jnp.full((100000,), jnp.inf, dtype=jnp.float32)
    nn_indices = jnp.zeros((100000,), dtype=jnp.int32)
    return {
        "x": x,
        "x_idx_start": 0,
        "y": y,
        "y_idx_start": 0,
        "min_dists": min_dists,
        "nn_indices": nn_indices,
    }


def reference(x, x_idx_start, y, y_idx_start, min_dists, nn_indices):
    # K == 1, cosine_dist == False path of KNNComputerNoCheck.forward
    x_bsize = x.shape[0]
    xb = x.reshape(x_bsize, -1)
    yb = y.reshape(y.shape[0], -1)
    # euclidean pairwise distance (torch.cdist p=2)
    x_sq = jnp.sum(xb * xb, axis=1, keepdims=True)  # [Q, 1]
    y_sq = jnp.sum(yb * yb, axis=1)                 # [K]
    sq = x_sq + y_sq[None, :] - 2.0 * (xb @ yb.T)   # [Q, K]
    dist = jnp.sqrt(jnp.maximum(sq, 0.0))
    new_min_dist = jnp.min(dist, axis=1)            # [Q]
    nn_idxes = jnp.argmin(dist, axis=1)             # [Q]
    old = jax.lax.dynamic_slice(min_dists, (x_idx_start,), (x_bsize,))
    updated = jnp.minimum(new_min_dist, old)
    min_dists_new = jax.lax.dynamic_update_slice(min_dists, updated, (x_idx_start,))
    nn_new_vals = (nn_idxes + y_idx_start).astype(nn_indices.dtype)
    nn_indices_new = jax.lax.dynamic_update_slice(nn_indices, nn_new_vals, (x_idx_start,))
    return (min_dists_new, nn_indices_new)

if __name__ == "__main__":
    import jax
    _d = setup_inputs()
    print(jax.jit(kernel)(*tuple(_d.values())))

</pallas_src>

<mosaic_0001>
#map = affine_map<(d0) -> (0, 0)>
#map1 = affine_map<(d0) -> (0)>
module attributes {stable_mosaic.version = 14 : i64} {
  func.func @sc_scatter(%arg0: i32, %arg1: memref<12500x8xf32, #tpu.memory_space<hbm>>, %arg2: memref<12500x8xi32, #tpu.memory_space<hbm>>, %arg3: memref<128x8xf32, #tpu.memory_space<hbm>>, %arg4: memref<128x8xi32, #tpu.memory_space<hbm>>, %arg5: memref<1xi32, #tpu.memory_space<hbm>>, %arg6: memref<12500x8xf32, #tpu.memory_space<hbm>>, %arg7: memref<12500x8xi32, #tpu.memory_space<hbm>>, %arg8: memref<1xi32, #tpu.memory_space<smem>>, %arg9: memref<!tpu.dma_semaphore, #tpu.memory_space<semaphore_mem>>) attributes {dimension_semantics = [#tpu.dimension_semantics<core_parallel>], iteration_bounds = array<i64: 2>, scalar_prefetch = 0 : i64, scratch_operands = 2 : i64, tpu.core_type = #tpu.core_type<sc_scalar_subcore>, window_params = [{transform_indices = #map}, {transform_indices = #map}, {transform_indices = #map}, {transform_indices = #map}, {transform_indices = #map1}, {transform_indices = #map}, {transform_indices = #map}]} {
    tpu.enqueue_dma source(%arg5 : memref<1xi32, #tpu.memory_space<hbm>>) target(%arg8 : memref<1xi32, #tpu.memory_space<smem>>) target_semaphore(%arg9 : memref<!tpu.dma_semaphore, #tpu.memory_space<semaphore_mem>>)
    tpu.wait_dma2 semaphore(%arg9 : memref<!tpu.dma_semaphore, #tpu.memory_space<semaphore_mem>>) src(%arg5 : memref<1xi32, #tpu.memory_space<hbm>>) dst(%arg8 : memref<1xi32, #tpu.memory_space<smem>>)
    %get3A = arith.constant 0 : i32
    %get3A_0 = arith.index_cast %get3A : i32 to index
    %get3A_1 = memref.load %arg8[%get3A_0] : memref<1xi32, #tpu.memory_space<smem>>
    %jit3A = arith.constant 8 : i32
    %div3A = arith.divsi %get3A_1, %jit3A : i32
    %sign3A = arith.constant 0 : i32
    %sign3A_2 = arith.cmpi sgt, %get3A_1, %sign3A : i32
    %sign3A_3 = arith.extui %sign3A_2 : i1 to i32
    %sign3A_4 = arith.constant 0 : i32
    %sign3A_5 = arith.cmpi slt, %get3A_1, %sign3A_4 : i32
    %sign3A_6 = arith.extui %sign3A_5 : i1 to i32
    %sign3A_7 = arith.subi %sign3A_3, %sign3A_6 : i32
    %sign3A_8 = arith.constant 0 : i32
    %sign3A_9 = arith.cmpi sgt, %jit3A, %sign3A_8 : i32
    %sign3A_10 = arith.extui %sign3A_9 : i1 to i32
    %sign3A_11 = arith.constant 0 : i32
    %sign3A_12 = arith.cmpi slt, %jit3A, %sign3A_11 : i32
    %sign3A_13 = arith.extui %sign3A_12 : i1 to i32
    %sign3A_14 = arith.subi %sign3A_10, %sign3A_13 : i32
    %ne3A = arith.cmpi ne, %sign3A_7, %sign3A_14 : i32
    %rem3A = arith.remsi %get3A_1, %jit3A : i32
    %ne3A_15 = arith.constant 0 : i32
    %ne3A_16 = arith.cmpi ne, %rem3A, %ne3A_15 : i32
    %and3A = arith.andi %ne3A, %ne3A_16 : i1
    %sub3A = arith.constant 1 : i32
    %sub3A_17 = arith.subi %div3A, %sub3A : i32
    %select_n3A = arith.select %and3A, %sub3A_17, %div3A : i32
    %multiple_of3A = tpu.assume_multiple %select_n3A, 8 : i32
    %eq3A = arith.constant 0 : i32
    %eq3A_18 = arith.cmpi eq, %arg0, %eq3A : i32
    %convert_element_type3A = arith.extui %eq3A_18 : i1 to i32
    %cond3A = arith.constant 0 : i32
    %cond3A_19 = arith.cmpi ne, %convert_element_type3A, %cond3A : i32
    scf.if %cond3A_19 {
      tpu.enqueue_dma source(%arg1 : memref<12500x8xf32, #tpu.memory_space<hbm>>) target(%arg6 : memref<12500x8xf32, #tpu.memory_space<hbm>>) target_semaphore(%arg9 : memref<!tpu.dma_semaphore, #tpu.memory_space<semaphore_mem>>)
      tpu.wait_dma2 semaphore(%arg9 : memref<!tpu.dma_semaphore, #tpu.memory_space<semaphore_mem>>) src(%arg1 : memref<12500x8xf32, #tpu.memory_space<hbm>>) dst(%arg6 : memref<12500x8xf32, #tpu.memory_space<hbm>>)
      %dma_start3A = arith.constant 0 : i32
      %dma_start3A_25 = tpu.memref_slice %arg6[%multiple_of3A, %dma_start3A] : memref<12500x8xf32, #tpu.memory_space<hbm>> -> memref<128x8xf32, #tpu.memory_space<hbm>>
      tpu.enqueue_dma source(%arg3 : memref<128x8xf32, #tpu.memory_space<hbm>>) target(%dma_start3A_25 : memref<128x8xf32, #tpu.memory_space<hbm>>) target_semaphore(%arg9 : memref<!tpu.dma_semaphore, #tpu.memory_space<semaphore_mem>>)
      %dma_wait3A = arith.constant 0 : i32
      %dma_wait3A_26 = tpu.memref_slice %arg6[%multiple_of3A, %dma_wait3A] : memref<12500x8xf32, #tpu.memory_space<hbm>> -> memref<128x8xf32, #tpu.memory_space<hbm>>
      tpu.wait_dma2 semaphore(%arg9 : memref<!tpu.dma_semaphore, #tpu.memory_space<semaphore_mem>>) src(%arg3 : memref<128x8xf32, #tpu.memory_space<hbm>>) dst(%dma_wait3A_26 : memref<128x8xf32, #tpu.memory_space<hbm>>)
    } else {
    }
    %eq3A_20 = arith.constant 1 : i32
    %eq3A_21 = arith.cmpi eq, %arg0, %eq3A_20 : i32
    %convert_element_type3A_22 = arith.extui %eq3A_21 : i1 to i32
    %cond3A_23 = arith.constant 0 : i32
    %cond3A_24 = arith.cmpi ne, %convert_element_type3A_22, %cond3A_23 : i32
    scf.if %cond3A_24 {
      tpu.enqueue_dma source(%arg2 : memref<12500x8xi32, #tpu.memory_space<hbm>>) target(%arg7 : memref<12500x8xi32, #tpu.memory_space<hbm>>) target_semaphore(%arg9 : memref<!tpu.dma_semaphore, #tpu.memory_space<semaphore_mem>>)
      tpu.wait_dma2 semaphore(%arg9 : memref<!tpu.dma_semaphore, #tpu.memory_space<semaphore_mem>>) src(%arg2 : memref<12500x8xi32, #tpu.memory_space<hbm>>) dst(%arg7 : memref<12500x8xi32, #tpu.memory_space<hbm>>)
      %dma_start3A = arith.constant 0 : i32
      %dma_start3A_25 = tpu.memref_slice %arg7[%multiple_of3A, %dma_start3A] : memref<12500x8xi32, #tpu.memory_space<hbm>> -> memref<128x8xi32, #tpu.memory_space<hbm>>
      tpu.enqueue_dma source(%arg4 : memref<128x8xi32, #tpu.memory_space<hbm>>) target(%dma_start3A_25 : memref<128x8xi32, #tpu.memory_space<hbm>>) target_semaphore(%arg9 : memref<!tpu.dma_semaphore, #tpu.memory_space<semaphore_mem>>)
      %dma_wait3A = arith.constant 0 : i32
      %dma_wait3A_26 = tpu.memref_slice %arg7[%multiple_of3A, %dma_wait3A] : memref<12500x8xi32, #tpu.memory_space<hbm>> -> memref<128x8xi32, #tpu.memory_space<hbm>>
      tpu.wait_dma2 semaphore(%arg9 : memref<!tpu.dma_semaphore, #tpu.memory_space<semaphore_mem>>) src(%arg4 : memref<128x8xi32, #tpu.memory_space<hbm>>) dst(%dma_wait3A_26 : memref<128x8xi32, #tpu.memory_space<hbm>>)
    } else {
    }
    return
  }
}

module attributes {stable_mosaic.version = 14 : i64} {
  func.func @_reduce_body(%arg0: i32, %arg1: memref<5000x16xf32, #tpu.memory_space<vmem>>, %arg2: memref<16x1024xf32, #tpu.memory_space<vmem>>, %arg3: memref<1x1024xf32, #tpu.memory_space<vmem>>, %arg4: memref<1x1024xi32, #tpu.memory_space<vmem>>, %arg5: memref<1x1024xf32, #tpu.memory_space<vmem>>, %arg6: memref<1x1024xi32, #tpu.memory_space<vmem>>, %arg7: memref<1x1024xf32, #tpu.memory_space<vmem>>) attributes {dimension_semantics = [#tpu.dimension_semantics<arbitrary>], iteration_bounds = array<i64: 20>, scalar_prefetch = 0 : i64, scratch_operands = 3 : i64, tpu.core_type = #tpu.core_type<tc>, window_params = [{transform_indices = @transform_0, window_bounds = array<i64: 5000, 16>}, {pipeline_mode = #tpu.pipeline_mode<synchronous>, transform_indices = @transform_1, window_bounds = array<i64: 16, 1024>}, {pipeline_mode = #tpu.pipeline_mode<synchronous>, transform_indices = @transform_2, window_bounds = array<i64: 1, 1024>}, {pipeline_mode = #tpu.pipeline_mode<synchronous>, transform_indices = @transform_3, window_bounds = array<i64: 1, 1024>}]} {
    %eq3A = arith.constant 0 : i32
    %eq3A_0 = arith.cmpi eq, %arg0, %eq3A : i32
    %convert_element_type3A = arith.extui %eq3A_0 : i1 to i32
    %cond3A = arith.constant 0 : i32
    %cond3A_1 = arith.cmpi ne, %convert_element_type3A, %cond3A : i32
    scf.if %cond3A_1 {
      %get3A_34 = arith.constant 0 : index
      %get3A_35 = arith.constant 0 : index
      %get3A_36 = vector.load %arg2[%get3A_34, %get3A_35] : memref<16x1024xf32, #tpu.memory_space<vmem>>, vector<16x1024xf32>
      %mul3A_37 = arith.mulf %get3A_36, %get3A_36 : vector<16x1024xf32>
      %reduce_sum3A_38 = arith.constant dense<0.000000e+00> : vector<1024xf32>
      %reduce_sum3A_39 = vector.multi_reduction <add>, %mul3A_37, %reduce_sum3A_38 [0] : vector<16x1024xf32> to vector<1024xf32>
      %mul3A_40 = arith.constant 2.500000e-01 : f32
      %mul3A_41 = vector.broadcast %mul3A_40 : f32 to vector<1024xf32>
      %mul3A_42 = arith.mulf %reduce_sum3A_39, %mul3A_41 : vector<1024xf32>
      %swap3A = arith.constant 0 : index
      %swap3A_43 = arith.constant 0 : index
      %swap3A_44 = vector.load %arg7[%swap3A, %swap3A_43] : memref<1x1024xf32, #tpu.memory_space<vmem>>, vector<1x1024xf32>
      %swap3A_45 = vector.shape_cast %swap3A_44 : vector<1x1024xf32> to vector<1024xf32>
      %swap3A_46 = vector.shape_cast %mul3A_42 : vector<1024xf32> to vector<1x1024xf32>
      tpu.vector_store %arg7[%swap3A, %swap3A_43], %swap3A_46 {strides = array<i32>} : memref<1x1024xf32, #tpu.memory_space<vmem>>, vector<1x1024xf32>,
    } else {
    }
    %get3A = arith.constant 0 : index
    %get3A_2 = arith.constant 0 : index
    %get3A_3 = vector.load %arg1[%get3A, %get3A_2] : memref<5000x16xf32, #tpu.memory_space<vmem>>, vector<5000x16xf32>
    %mul3A = arith.mulf %get3A_3, %get3A_3 : vector<5000x16xf32>
    %reduce_sum3A = arith.constant dense<0.000000e+00> : vector<5000xf32>
    %reduce_sum3A_4 = vector.multi_reduction <add>, %mul3A, %reduce_sum3A [1] : vector<5000x16xf32> to vector<5000xf32>
    %broadcast_in_dim3A = vector.shape_cast %reduce_sum3A_4 : vector<5000xf32> to vector<5000x1xf32>
    %get3A_5 = arith.constant 0 : index
    %get3A_6 = arith.constant 0 : index
    %get3A_7 = vector.load %arg2[%get3A_5, %get3A_6] : memref<16x1024xf32, #tpu.memory_space<vmem>>, vector<16x1024xf32>
    %dot_general3A = arith.constant dense<0.000000e+00> : vector<5000x1024xf32>
    %dot_general3A_8 = tpu.matmul %get3A_3, %get3A_7, %dot_general3A {dimension_numbers = #tpu.dot_dimension_numbers<[1], [0], [0], [1], [0, 0, 1, 1], [], []>, transpose_lhs_hint = false} : vector<5000x16xf32>, vector<16x1024xf32>, vector<5000x1024xf32> -> vector<5000x1024xf32>
    %get3A_9 = arith.constant 0 : index
    %get3A_10 = arith.constant 0 : index
    %get3A_11 = vector.load %arg7[%get3A_9, %get3A_10] : memref<1x1024xf32, #tpu.memory_space<vmem>>, vector<1x1024xf32>
    %get3A_12 = vector.shape_cast %get3A_11 : vector<1x1024xf32> to vector<1024xf32>
    %broadcast_in_dim3A_13 = vector.shape_cast %get3A_12 : vector<1024xf32> to vector<1x1024xf32>
    %add3A = vector.broadcast %broadcast_in_dim3A : vector<5000x1xf32> to vector<5000x1024xf32>
    %add3A_14 = vector.broadcast %broadcast_in_dim3A_13 : vector<1x1024xf32> to vector<5000x1024xf32>
    %add3A_15 = arith.addf %add3A, %add3A_14 : vector<5000x1024xf32>
    %add3A_16 = arith.addf %add3A_15, %dot_general3A_8 : vector<5000x1024xf32>
    %reduce_min3A = arith.constant dense<0x7F800000> : vector<1024xf32>
    %reduce_min3A_17 = vector.multi_reduction <minimumf>, %add3A_16, %reduce_min3A [0] : vector<5000x1024xf32> to vector<1024xf32>
    %argmin3A = tpu.reduce_index %add3A_16 {axis = 0 : i32, kind = #tpu.reduction_kind<arg_min>} : vector<5000x1024xf32> -> vector<1024xi32>
    %mul3A_18 = arith.constant 5000 : i32
    %mul3A_19 = arith.muli %arg0, %mul3A_18 : i32
    %eq3A_20 = arith.constant 0 : i32
    %eq3A_21 = arith.cmpi eq, %arg0, %eq3A_20 : i32
    %convert_element_type3A_22 = arith.extui %eq3A_21 : i1 to i32
    %cond3A_23 = arith.constant 0 : i32
    %cond3A_24 = arith.cmpi ne, %convert_element_type3A_22, %cond3A_23 : i32
    scf.if %cond3A_24 {
      %swap3A = arith.constant 0 : index
      %swap3A_34 = arith.constant 0 : index
      %swap3A_35 = vector.load %arg5[%swap3A, %swap3A_34] : memref<1x1024xf32, #tpu.memory_space<vmem>>, vector<1x1024xf32>
      %swap3A_36 = vector.shape_cast %swap3A_35 : vector<1x1024xf32> to vector<1024xf32>
      %swap3A_37 = vector.shape_cast %reduce_min3A_17 : vector<1024xf32> to vector<1x1024xf32>
      tpu.vector_store %arg5[%swap3A, %swap3A_34], %swap3A_37 {strides = array<i32>} : memref<1x1024xf32, #tpu.memory_space<vmem>>, vector<1x1024xf32>,
      %swap3A_38 = arith.constant 0 : index
      %swap3A_39 = arith.constant 0 : index
      %swap3A_40 = vector.load %arg6[%swap3A_38, %swap3A_39] : memref<1x1024xi32, #tpu.memory_space<vmem>>, vector<1x1024xi32>
      %swap3A_41 = vector.shape_cast %swap3A_40 : vector<1x1024xi32> to vector<1024xi32>
      %swap3A_42 = vector.shape_cast %argmin3A : vector<1024xi32> to vector<1x1024xi32>
      tpu.vector_store %arg6[%swap3A_38, %swap3A_39], %swap3A_42 {strides = array<i32>} : memref<1x1024xi32, #tpu.memory_space<vmem>>, vector<1x1024xi32>,
    } else {
    }
    %gt3A = arith.constant 0 : i32
    %gt3A_25 = arith.cmpi sgt, %arg0, %gt3A : i32
    %convert_element_type3A_26 = arith.extui %gt3A_25 : i1 to i32
    %cond3A_27 = arith.constant 0 : i32
    %cond3A_28 = arith.cmpi ne, %convert_element_type3A_26, %cond3A_27 : i32
    scf.if %cond3A_28 {
      %get3A_34 = arith.constant 0 : index
      %get3A_35 = arith.constant 0 : index
      %get3A_36 = vector.load %arg5[%get3A_34, %get3A_35] : memref<1x1024xf32, #tpu.memory_space<vmem>>, vector<1x1024xf32>
      %get3A_37 = vector.shape_cast %get3A_36 : vector<1x1024xf32> to vector<1024xf32>
      %lt3A = arith.cmpf olt, %reduce_min3A_17, %get3A_37 : vector<1024xf32>
      %select_n3A = arith.select %lt3A, %reduce_min3A_17, %get3A_37 : vector<1024xi1>, vector<1024xf32>
      %swap3A = arith.constant 0 : index
      %swap3A_38 = arith.constant 0 : index
      %swap3A_39 = vector.load %arg5[%swap3A, %swap3A_38] : memref<1x1024xf32, #tpu.memory_space<vmem>>, vector<1x1024xf32>
      %swap3A_40 = vector.shape_cast %swap3A_39 : vector<1x1024xf32> to vector<1024xf32>
      %swap3A_41 = vector.shape_cast %select_n3A : vector<1024xf32> to vector<1x1024xf32>
      tpu.vector_store %arg5[%swap3A, %swap3A_38], %swap3A_41 {strides = array<i32>} : memref<1x1024xf32, #tpu.memory_space<vmem>>, vector<1x1024xf32>,
      %add3A_42 = vector.broadcast %mul3A_19 : i32 to vector<1024xi32>
      %add3A_43 = arith.addi %argmin3A, %add3A_42 : vector<1024xi32>
      %get3A_44 = arith.constant 0 : index
      %get3A_45 = arith.constant 0 : index
      %get3A_46 = vector.load %arg6[%get3A_44, %get3A_45] : memref<1x1024xi32, #tpu.memory_space<vmem>>, vector<1x1024xi32>
      %get3A_47 = vector.shape_cast %get3A_46 : vector<1x1024xi32> to vector<1024xi32>
      %select_n3A_48 = arith.select %lt3A, %add3A_43, %get3A_47 : vector<1024xi1>, vector<1024xi32>
      %swap3A_49 = arith.constant 0 : index
      %swap3A_50 = arith.constant 0 : index
      %swap3A_51 = vector.load %arg6[%swap3A_49, %swap3A_50] : memref<1x1024xi32, #tpu.memory_space<vmem>>, vector<1x1024xi32>
      %swap3A_52 = vector.shape_cast %swap3A_51 : vector<1x1024xi32> to vector<1024xi32>
      %swap3A_53 = vector.shape_cast %select_n3A_48 : vector<1024xi32> to vector<1x1024xi32>
      tpu.vector_store %arg6[%swap3A_49, %swap3A_50], %swap3A_53 {strides = array<i32>} : memref<1x1024xi32, #tpu.memory_space<vmem>>, vector<1x1024xi32>,
    } else {
    }
    %eq3A_29 = arith.constant 19 : i32
    %eq3A_30 = arith.cmpi eq, %arg0, %eq3A_29 : i32
    %convert_element_type3A_31 = arith.extui %eq3A_30 : i1 to i32
    %cond3A_32 = arith.constant 0 : i32
    %cond3A_33 = arith.cmpi ne, %convert_element_type3A_31, %cond3A_32 : i32
    scf.if %cond3A_33 {
      %get3A_34 = arith.constant 0 : index
      %get3A_35 = arith.constant 0 : index
      %get3A_36 = vector.load %arg5[%get3A_34, %get3A_35] : memref<1x1024xf32, #tpu.memory_space<vmem>>, vector<1x1024xf32>
      %get3A_37 = vector.shape_cast %get3A_36 : vector<1x1024xf32> to vector<1024xf32>
      %swap3A = arith.constant 0 : index
      %swap3A_38 = arith.constant 0 : index
      %swap3A_39 = vector.load %arg3[%swap3A, %swap3A_38] : memref<1x1024xf32, #tpu.memory_space<vmem>>, vector<1x1024xf32>
      %swap3A_40 = vector.shape_cast %swap3A_39 : vector<1x1024xf32> to vector<1024xf32>
      %swap3A_41 = vector.shape_cast %get3A_37 : vector<1024xf32> to vector<1x1024xf32>
      tpu.vector_store %arg3[%swap3A, %swap3A_38], %swap3A_41 {strides = array<i32>} : memref<1x1024xf32, #tpu.memory_space<vmem>>, vector<1x1024xf32>,
      %get3A_42 = arith.constant 0 : index
      %get3A_43 = arith.constant 0 : index
      %get3A_44 = vector.load %arg6[%get3A_42, %get3A_43] : memref<1x1024xi32, #tpu.memory_space<vmem>>, vector<1x1024xi32>
      %get3A_45 = vector.shape_cast %get3A_44 : vector<1x1024xi32> to vector<1024xi32>
      %swap3A_46 = arith.constant 0 : index
      %swap3A_47 = arith.constant 0 : index
      %swap3A_48 = vector.load %arg4[%swap3A_46, %swap3A_47] : memref<1x1024xi32, #tpu.memory_space<vmem>>, vector<1x1024xi32>
      %swap3A_49 = vector.shape_cast %swap3A_48 : vector<1x1024xi32> to vector<1024xi32>
      %swap3A_50 = vector.shape_cast %get3A_45 : vector<1024xi32> to vector<1x1024xi32>
      tpu.vector_store %arg4[%swap3A_46, %swap3A_47], %swap3A_50 {strides = array<i32>} : memref<1x1024xi32, #tpu.memory_space<vmem>>, vector<1x1024xi32>,
    } else {
    }
    return
  }
  func.func @transform_0(%arg0: i32) -> (i32, i32) {
    %c0_i32 = arith.constant 0 : i32
    %c0_i32_0 = arith.constant 0 : i32
    return %arg0, %c0_i32 : i32, i32
  }
  func.func @transform_1(%arg0: i32) -> (i32, i32) {
    %c0_i32 = arith.constant 0 : i32
    %c0_i32_0 = arith.constant 0 : i32
    %c0_i32_1 = arith.constant 0 : i32
    return %c0_i32, %c0_i32_0 : i32, i32
  }
  func.func @transform_2(%arg0: i32) -> (i32, i32) {
    %c0_i32 = arith.constant 0 : i32
    %c0_i32_0 = arith.constant 0 : i32
    %c0_i32_1 = arith.constant 0 : i32
    return %c0_i32, %c0_i32_0 : i32, i32
  }
  func.func @transform_3(%arg0: i32) -> (i32, i32) {
    %c0_i32 = arith.constant 0 : i32
    %c0_i32_0 = arith.constant 0 : i32
    %c0_i32_1 = arith.constant 0 : i32
    return %c0_i32, %c0_i32_0 : i32, i32
  }
}

</mosaic_0001>

<sc_bundles>
// kernel: kernel.4.cloned.1.call-start
scs
__scs_entry_jumppad:
0x0: {  	(pc) =	sbr.rel $0x88, $3  }
0x1: {  	(tag) =	ssettag $0x0;
	lr =	simm.s32 $0x1  }
0x2: {  	[smem:$0x3F9B] =	sst lr;
	_ =	strace $0xD0000000  }
0x3: {  	_ = 	snop  }
0x4: {  	_ = 	snop  }
0x5: {  	_ = 	snop  }
0x6: {  	_ = 	snop  }
0x7: {  	_ = 	snop  }
__scs_overlays_trampoline_lowered:
0x8: {  	[smem:$0x3FAA] =	sst s0  }
0x9: {  	[smem:$0x3FAB] =	sst s1  }
0xa: {  	[smem:$0x3FAC] =	sst s2  }
0xb: {  	[smem:$0x3FAD] =	sst s3  }
0xc: {  	[smem:$0x3FAE] =	sst s4  }
0xd: {  	[smem:$0x3FAF] =	sst s5  }
0xe: {  	[smem:$0x3FB0] =	sst s6  }
0xf: {  	[smem:$0x3FB1] =	sst s7  }
0x10: {  	[smem:$0x3FB2] =	sst s8  }
0x11: {  	[smem:$0x3FB3] =	sst s9;
	s0 =	simm.s32 @!p0 $0x0  }
0x12: {  	s1 =	sld [smem:$0x3F99];
	s0 =	simm.s32 @p0 $0x1  }
0x13: {  	[smem:$0x3FB4] =	sst s0;
	s0 =	simm.s32 @!p1 $0x0  }
0x14: {  	s2 =	sld [smem:$0x3F98];
	s0 =	simm.s32 @p1 $0x1  }
0x15: {  	[smem:$0x3FB5] =	sst s0;
	s0 =	simm.s32 @!p2 $0x0  }
0x16: {  	s3 =	sld [smem:$0x3FDB];
	s0 =	simm.s32 @p2 $0x1  }
0x17: {  	s4 =	simm.s32 $0x1BF5;
	[smem:$0x3FB7] =	sst s0  }
0x18: {  	s0 =	sld [smem:$0x3F9A];
	_ =	swait.ge [sflag:s4], $0x0  }
0x19: {  	s7 =	sld [smem:$0x3F9B]  }
0x1a: {  	s8 =	sadd.s32 $0xFFFFE003, lr  }
0x1b: {  	s9 =	sadd.s32 $0xFFFFFEF7, lr;
	s5 =	simm.s32 $0xFFFFFFFF;
	p2 =	slt.u32 s8, $0xFFFFF086  }
0x1c: {  	p1 =	slt.u32 s9, $0xF7A;
	s5 =	simm.s32 @!p2 $0x0  }
0x1d: {  	s5 =	simm.s32 @p1 $0x1;
	p0 =	seq.s32 s7, s2  }
0x1e: {  	s7 =	smul.u32 @!p0 $0xF7A, s2;
	p2 =	seq.s32 @!p0 s5, $0x0  }
0x1f: {  	s9 =	smul.u32 $0xF7A, s1;
	s8 =	simm.s32 @!p0 $0x1BF5;
	p2 =	por !p2, p0  }
0x20: {  	[sflag:s8] =	ssyncset.s32 @!p0 $0xFFFFF086;
	s6 =	sadd.s32 @!p0 s3, s7;
	s7 =	simm.s32 @!p0 $0x108  }
0x21: {  	s3 =	sadd.s32 s3, s9;
	s6 =	sadd.s32 @!p0 $0x88, s6;
	s7 =	simm.s32 @p2 $0x1082  }
0x22: {  	[simem:s7], [sflag:s8] =	dma.local @!p0 [hbm:s6], $0xF7A  }
0x23: {  	s9 =	sor.u32 $0xD0000000, s2;
	s6 =	simm.s32 $0x108;
	_ =	swait.ge @!p0 [sflag:s8], $0x0  }
0x24: {  	s3 =	sadd.s32 $0x88, s3;
	s6 =	simm.s32 @!p1 $0x1082;
	[sflag:s4] =	ssyncset.s32 $0xFFFFF086  }
0x25: {  	[simem:s6], [sflag:s4] =	dma.local [hbm:s3], $0xF7A  }
0x26: {  	[smem:$0x3F9B] =	sst s1;
	(tag) =	ssettag s2;
	_ =	strace s9  }
0x27: {  	s1 =	sld [smem:$0x3FAB]  }
0x28: {  	s2 =	sld [smem:$0x3FAC]  }
0x29: {  	s4 =	sld [smem:$0x3FAE]  }
0x2a: {  	p0 =	seq.s32 s5, $0x0;
	s5 =	sld [smem:$0x3FAF]  }
0x2b: {  	s6 =	sld [smem:$0x3FB0]  }
0x2c: {  	s7 =	sld [smem:$0x3FB1]  }
0x2d: {  	s3 =	simm.s32 $0x108;
	s8 =	sld [smem:$0x3FB2]  }
0x2e: {  	s3 =	simm.s32 @!p0 $0x1082;
	s9 =	sld [smem:$0x3FB3]  }
0x2f: {  	lr =	sadd.s32 s0, s3;
	s0 =	sld [smem:$0x3FAA]  }
0x30: {  	s3 =	sld [smem:$0x3FAD]  }
0x31: {  	[smem:$0x3FB6] =	sst s10  }
0x32: {  	s10 =	sld [smem:$0x3FB4];
	_ =	sdelay $0x3  }
0x33: {  	p0 =	seq.s32 s10, $0x1;
	s10 =	sld [smem:$0x3FB6];
	_ =	sdelay $0x3  }
0x34: {  	[smem:$0x3FB6] =	sst s10  }
0x35: {  	s10 =	sld [smem:$0x3FB5];
	_ =	sdelay $0x3  }
0x36: {  	p1 =	seq.s32 s10, $0x1;
	s10 =	sld [smem:$0x3FB6];
	_ =	sdelay $0x3  }
0x37: {  	[smem:$0x3FB6] =	sst s10  }
0x38: {  	s10 =	sld [smem:$0x3FB7]  }
0x39: {  	_ = 	snop;
	(pc) =	sbr.ind lr, $3  }
0x3a: {  	_ = 	snop  }
0x3b: {  	_ = 	snop  }
0x3c: {  	p2 =	seq.s32 s10, $0x1;
	s10 =	sld [smem:$0x3FB6]  }
0x3d: {  	_ =	shalt  }
0x3e: {  	_ =	shalt  }
0x3f: {  	_ =	shalt  }
0x40: {  	_ =	shalt  }
0x41: {  	_ =	shalt  }
0x42: {  	_ =	shalt  }
0x43: {  	_ =	shalt  }
0x44: {  	_ =	shalt  }
0x45: {  	_ =	shalt  }
0x46: {  	_ =	shalt  }
0x47: {  	_ =	shalt  }
0x48: {  	_ =	shalt  }
0x49: {  	_ =	shalt  }
0x4a: {  	_ =	shalt  }
0x4b: {  	_ =	shalt  }
0x4c: {  	_ =	shalt  }
0x4d: {  	_ =	shalt  }
0x4e: {  	_ =	shalt  }
0x4f: {  	_ =	shalt  }
0x50: {  	_ =	shalt  }
0x51: {  	_ =	shalt  }
0x52: {  	_ =	shalt  }
0x53: {  	_ =	shalt  }
0x54: {  	_ =	shalt  }
0x55: {  	_ =	shalt  }
0x56: {  	_ =	shalt  }
0x57: {  	_ =	shalt  }
0x58: {  	_ =	shalt  }
0x59: {  	_ =	shalt  }
0x5a: {  	_ =	shalt  }
0x5b: {  	_ =	shalt  }
0x5c: {  	_ =	shalt  }
0x5d: {  	_ =	shalt  }
0x5e: {  	_ =	shalt  }
0x5f: {  	_ =	shalt  }
0x60: {  	_ =	shalt  }
0x61: {  	_ =	shalt  }
0x62: {  	_ =	shalt  }
0x63: {  	_ =	shalt  }
0x64: {  	_ =	shalt  }
0x65: {  	_ =	shalt  }
0x66: {  	_ =	shalt  }
0x67: {  	_ =	shalt  }
0x68: {  	_ =	shalt  }
0x69: {  	_ =	shalt  }
0x6a: {  	_ =	shalt  }
0x6b: {  	_ =	shalt  }
0x6c: {  	_ =	shalt  }
0x6d: {  	_ =	shalt  }
0x6e: {  	_ =	shalt  }
0x6f: {  	_ =	shalt  }
0x70: {  	_ =	shalt  }
0x71: {  	_ =	shalt  }
0x72: {  	_ =	shalt  }
0x73: {  	_ =	shalt  }
0x74: {  	_ =	shalt  }
0x75: {  	_ =	shalt  }
0x76: {  	_ =	shalt  }
0x77: {  	_ =	shalt  }
0x78: {  	_ =	shalt  }
0x79: {  	_ =	shalt  }
0x7a: {  	_ =	shalt  }
0x7b: {  	_ =	shalt  }
0x7c: {  	_ =	shalt  }
0x7d: {  	_ =	shalt  }
0x7e: {  	_ =	shalt  }
0x7f: {  	_ =	shalt  }
0x80: {  	_ =	shalt  }
0x81: {  	_ =	shalt  }
0x82: {  	_ =	shalt  }
0x83: {  	_ =	shalt  }
0x84: {  	_ =	shalt  }
0x85: {  	_ =	shalt  }
0x86: {  	_ =	shalt  }
0x87: {  	_ =	shalt  }
.Lfunc_end0:
.L_simem_size_0:
called_computation_lowered:
.L_overlay_start_0:
0x88: {  	s2 =	sld [smem:$0x3FD9]  }
0x89: {  	s3 =	sld [smem:$0x3FFE];
	_ =	sdelay $0x1  }
0x8a: {  	s1 =	srdreg.scid  }
0x8b: {  	s0 =	sand.u32 $0x1, s1  }
0x8c: {  	s22 =	sshll.u32 s0, $0xA;
	s2 =	sadd.s32 s3, s2  }
0x8d: {  	s2 =	sadd.s32 s2, s22  }
0x8e: {  	[smem:$0x3FC2] =	sst s2  }
0x8f: {  	_ = 	snop  }
0x90: {  	s2 =	sld [smem:$0x3FD0];
	_ =	sdelay $0x2  }
0x91: {  	s23 =	simm.s32 $0xA;
	s4 =	simm.s32 $0x90;
	s6 =	sld [smem:$0x3FC8]  }
0x92: {  	[smem:s4], [sflag:s23] =	dma.local [hbm:s2], $0x1  }
0x93: {  	_ =	swait.eq [sflag:s23], $0x1  }
0x94: {  	[sflag:s23] =	ssyncset.done $0x0;
	s2 =	sld [smem:$0x90]  }
0x95: {  	s24 =	simm.s32 $0x0;
	s3 =	sld [smem:$0x91];
	[sflag:s23] =	ssyncadd.s32 $0xFFFFFFFF  }
0x96: {  	[smem:$0xF] =	sst s24  }
0x97: {  	(tm) =	ssettm $0x1  }
0x98: {  	s25 =	sld [smem:$0x3FFB];
	_ =	sdelay $0x3  }
0x99: {  	_ =	strace s25  }
0x9a: {  	s4 =	sld [smem:$0x3FFC];
	_ =	sdelay $0x3  }
0x9b: {  	_ =	strace s4  }
0x9c: {  	s4 =	sld [smem:$0x3FFD];
	_ =	sdelay $0x3  }
0x9d: {  	_ =	strace s4  }
0x9e: {  	s26 =	simm.s32 $0x1B8B;
	_ =	strace $0x8FFFFFFF  }
0x9f: {  	_ =	swait.ge [sflag:s26], $0x1  }
0xa0: {  	[sflag:s26] =	ssyncset.done $0x0  }
0xa1: {  	s28 =	simm.s32 $0x1B8E;
	[sflag:s26] =	ssyncadd.s32 $0xFFFFFFFF  }
0xa2: {  	s7 =	simm.s32 $0x10;
	[smem:$0x3FD2] =	sst s28  }
0xa3: {  	s4 =	simm.s32 $0x9;
	s5 =	sld [smem:$0x3FFE];
	_ =	strace $0x80000046  }
0xa4: {  	[smem:s7], [sflag:s4] =	dma.local [hbm:s6], $0x10  }
0xa5: {  	_ =	swait.ge [sflag:s4], $0x10  }
0xa6: {  	[sflag:s4] =	ssyncset.done $0x0  }
0xa7: {  	[sflag:s4] =	ssyncadd.s32 $0xFFFFFFF0  }
0xa8: {  	s29 =	sld [smem:$0x10];
	_ =	sdelay $0x3  }
0xa9: {  	s30 =	sand.u32 $0x7, s29  }
0xaa: {  	s31 =	sshra.s32 s29, $0x1F;
	p1 =	slt.s32 s29, $0x1;
	p0 =	sne.s32 s30, $0x0  }
0xab: {  	s7 =	sshrl.u32 s31, $0x1D;
	p0 =	por !p1, !p0  }
0xac: {  	s6 =	sadd.s32 s7, s29;
	s7 =	simm.s32 $0x1;
	p0 =	por !p0, !p0  }
0xad: {  	s7 =	simm.s32 @!p0 $0x0;
	p0 =	seq.s32 s0, $0x0  }
.Ltmp0:
0xae: {  	_ = 	snop;
	(pc) =	sbr.rel @p0 .LBB1_2-.Ltmp0, $3  }
0xaf: {  	_ = 	snop  }
0xb0: {  	s6 =	sshra.s32 s6, $0x3  }
0xb1: {  	s6 =	ssub.s32 s6, s7  }
.Ltmp1:
0xb2: {  	(pc) =	sbr.rel .LBB1_3-.Ltmp1, $3  }
0xb3: {  	_ = 	snop  }
0xb4: {  	s3 =	sshll.u32 s6, $0x4  }
0xb5: {  	s6 =	sand.u32 $0xFFFFF80, s3  }
.LBB1_2:
0xb6: {  	s7 =	sadd.s32 $0xE00, s5;
	s8 =	sadd.s32 $0x62A00, s5  }
0xb7: {  	[hbm:s8], [sflag:s4] =	dma.local [hbm:s7], $0x30D80  }
0xb8: {  	s6 =	sshll.u32 s6, $0x4;
	_ =	swait.ge [sflag:s4], $0x30D80  }
0xb9: {  	s6 =	sand.u32 $0xFFFFF80, s6;
	[sflag:s4] =	ssyncset.done $0x0  }
0xba: {  	s31 =	sadd.s32 s8, s6;
	[sflag:s4] =	ssyncadd.s32 $0xFFFCF280  }
0xbb: {  	[hbm:s31], [sflag:s4] =	dma.local [hbm:s3], $0x800  }
.Ltmp2:
0xbc: {  	_ = 	snop;
	(pc) =	sbr.rel @p0 .LBB1_4-.Ltmp2, $3  }
0xbd: {  	_ =	swait.ge [sflag:s4], $0x800  }
0xbe: {  	[sflag:s4] =	ssyncset.done $0x0  }
0xbf: {  	[sflag:s4] =	ssyncadd.s32 $0xFFFFF800  }
.LBB1_3:
0xc0: {  	s3 =	sadd.s32 $0x31C00, s5;
	s30 =	sadd.s32 $0x93800, s5;
	s31 =	simm.s32 $0x9  }
0xc1: {  	[hbm:s30], [sflag:s4] =	dma.local [hbm:s3], $0x30D80  }
0xc2: {  	_ =	swait.ge [sflag:s31], $0x30D80  }
0xc3: {  	[sflag:s31] =	ssyncset.done $0x0  }
0xc4: {  	[sflag:s31] =	ssyncadd.s32 $0xFFFCF280  }
0xc5: {  	s5 =	sadd.s32 s30, s6  }
0xc6: {  	[hbm:s5], [sflag:s4] =	dma.local [hbm:s2], $0x800  }
0xc7: {  	_ =	swait.ge [sflag:s31], $0x800  }
0xc8: {  	[sflag:s31] =	ssyncset.done $0x0  }
0xc9: {  	[sflag:s31] =	ssyncadd.s32 $0xFFFFF800  }
.LBB1_4:
0xca: {  	_ =	strace $0x90000046  }
0xcb: {  	_ =	sfence  }
0xcc: {  	s2 =	sld [smem:$0x0];
	_ =	sdelay $0x2  }
0xcd: {  	s3 =	sshll.u32 s1, $0xD;
	s31 =	sshrl.u32 s1, $0x2  }
0xce: {  	s3 =	sand.u32 $0x4000, s3;
	s1 =	sadd.s32 s31, s2  }
0xcf: {  	s0 =	sor.u32 s3, s0;
	s1 =	sshll.u32 s1, $0x11  }
0xd0: {  	s0 =	sor.u32 s1, s0  }
0xd1: {  	s0 =	sadd.s32 $0x8F2B, s0;
	(pc) =	sbr.abs _section_cstart, $3  }
0xd2: {  	[sflag:s0] =	ssyncadd.remote.s32 $0x1  }
0xd3: {  	_ =	strace $0x9FFFFFFF  }
0xd4: {  	(tm) =	ssettm $0x7FFFFFFF  }
0xd5: {  	_ =	shalt  }

</sc_bundles>
